<compile_context>
chip_gen: v7x
topology: tpu7x:2x2x1
jax: 0.10.2.dev20260603
libtpu: 0.0.44.dev20260713+nightly
codegen_flags: <defaults>
</compile_context>

<pallas_src>
import functools

import jax
import jax.numpy as jnp
from jax import lax
from jax.experimental import pallas as pl
from jax.experimental.pallas import tpu as pltpu
from jax.experimental.pallas import tpu_sc as plsc

_B, _T, _D = 64, 576, 64
_N = _B * _T
_K = 1024

_R = 1024
_STEPS = _N // _R

_NC, _NS = 2, 16
_NW = _NC * _NS
_ROWS_PER_TILE = _N // _NW
_CHUNK = 128
_NCHUNK = _ROWS_PER_TILE // _CHUNK


def _tc_body(z_ref, cb_ref, cbn_ref, ids_ref, idx_ref, loss_ref):
    i = pl.program_id(0)
    zb = z_ref[...]

    @pl.when(i == 0)
    def _init():
        loss_ref[0, 0] = 0.0

    dots = lax.dot_general(zb, cb_ref[...], (((1,), (1,)), ((), ())),
                           preferred_element_type=jnp.float32)
    rn = jnp.sum(zb * zb, axis=1, keepdims=True)
    d2 = rn - 2.0 * dots + cbn_ref[...]
    m = jnp.min(d2, axis=1)
    ids = jnp.broadcast_to(ids_ref[...], (_R, _K))
    idxf = jnp.min(jnp.where(d2 == m[:, None], ids, float(_K)), axis=1)
    idx_ref[...] = idxf.astype(jnp.int32)
    loss_ref[0, 0] += jnp.sum(m)

    @pl.when(i == _STEPS - 1)
    def _finish():
        loss_ref[0, 0] = loss_ref[0, 0] * (1.25 / (_N * _D))


_tc_call = pl.pallas_call(
    _tc_body,
    grid=(_STEPS,),
    in_specs=[
        pl.BlockSpec((_R, _D), lambda i: (i, 0)),
        pl.BlockSpec((_K, _D), lambda i: (0, 0)),
        pl.BlockSpec((1, _K), lambda i: (0, 0)),
        pl.BlockSpec((1, _K), lambda i: (0, 0)),
    ],
    out_specs=[
        pl.BlockSpec((_R,), lambda i: (i,)),
        pl.BlockSpec(memory_space=pltpu.SMEM, block_shape=(1, 1),
                     index_map=lambda i: (0, 0)),
    ],
    out_shape=[
        jax.ShapeDtypeStruct((_N,), jnp.int32),
        jax.ShapeDtypeStruct((1, 1), jnp.float32),
    ],
)


@functools.cache
def _make_sc_gather():
    mesh = plsc.VectorSubcoreMesh(core_axis_name="c", subcore_axis_name="s")

    @functools.partial(
        pl.kernel,
        mesh=mesh,
        out_type=jax.ShapeDtypeStruct((_N, _D), jnp.float32),
        scratch_types=[
            pltpu.VMEM((_ROWS_PER_TILE,), jnp.int32),
            pltpu.VMEM((_ROWS_PER_TILE, _D), jnp.float32),
            pltpu.SemaphoreType.DMA,
        ],
        compiler_params=pltpu.CompilerParams(use_tc_tiling_on_sc=False),
    )
    def _sc_gather(cb_hbm, idx_hbm, out_hbm, idx_v, rows_v, sem):
        wid = lax.axis_index("s") * _NC + lax.axis_index("c")
        base = wid * _ROWS_PER_TILE
        pltpu.sync_copy(idx_hbm.at[pl.ds(base, _ROWS_PER_TILE)], idx_v)
        copies = [
            pltpu.async_copy(
                cb_hbm.at[idx_v.at[pl.ds(c * _CHUNK, _CHUNK)]],
                rows_v.at[pl.ds(c * _CHUNK, _CHUNK), :],
                sem,
            )
            for c in range(_NCHUNK)
        ]
        for cp in copies:
            cp.wait()
        pltpu.sync_copy(rows_v, out_hbm.at[pl.ds(base, _ROWS_PER_TILE)])

    return _sc_gather


def kernel(z, codebook):
    B, T, D = z.shape
    flat = z.reshape(_N, D)
    cbn = jnp.sum(codebook ** 2, axis=1)[None, :]
    ids = jnp.arange(_K, dtype=jnp.float32)[None, :]
    idx1, loss = _tc_call(flat, codebook, cbn, ids)
    q = _make_sc_gather()(codebook, idx1)
    return q.reshape(B, T, D), loss.reshape(()), idx1.reshape(B, T)

# --- scband reference (transcript-rebuilt; emitter-appended) ---
"""Pipeline reference for scband-vqvaept-21869973471296 (READ-ONLY COPY).

The authoritative reference and input builder live on the scoring server;
editing this copy changes nothing except your own understanding.
"""

import jax, jax.numpy as jnp
import numpy as np


def setup_inputs(seed: int = 0) -> dict:
    key = jax.random.key(seed)
    k1, k2 = jax.random.split(key)
    # encoder output latents: [B, T, code_dim]
    z = jax.random.normal(k1, (64, 576, 64), dtype=jnp.float32)
    # learned codebook per init_kwargs: [num_embeddings, embedding_dim]
    codebook = jax.random.normal(k2, (1024, 64), dtype=jnp.float32) * 0.02
    return {"z": z, "codebook": codebook}


def reference(z, codebook):
    # Vector quantization core of VQVAEPT (VectorQuantizerPT):
    # nearest-codebook-entry lookup + straight-through estimator + VQ losses.
    B, T, D = z.shape
    flat = z.reshape(-1, D)  # [B*T, D]
    # squared L2 distances to every codebook vector: ||x||^2 - 2 x.e + ||e||^2
    d2 = (
        jnp.sum(flat ** 2, axis=1, keepdims=True)
        - 2.0 * (flat @ codebook.T)
        + jnp.sum(codebook ** 2, axis=1)[None, :]
    )  # [B*T, K]
    idx = jnp.argmin(d2, axis=1)  # [B*T]
    quantized = jnp.take(codebook, idx, axis=0).reshape(B, T, D)
    codebook_loss = jnp.mean((quantized - jax.lax.stop_gradient(z)) ** 2)
    commitment_loss = jnp.mean((jax.lax.stop_gradient(quantized) - z) ** 2)
    vq_loss = codebook_loss + 0.25 * commitment_loss
    # straight-through estimator output
    st = z + jax.lax.stop_gradient(quantized - z)
    return st, vq_loss, idx.reshape(B, T)

if __name__ == "__main__":
    import jax
    _d = setup_inputs()
    print(jax.jit(kernel)(*tuple(_d.values())))

</pallas_src>

<mosaic_0001>
#map = affine_map<(d0, d1) -> (0, 0)>
#map1 = affine_map<(d0, d1) -> (0)>
module attributes {stable_mosaic.version = 14 : i64} {
  func.func @_sc_gather(%arg0: i32, %arg1: i32, %arg2: memref<1024x64xf32, #tpu.memory_space<hbm>>, %arg3: memref<36864xi32, #tpu.memory_space<hbm>>, %arg4: memref<36864x64xf32, #tpu.memory_space<hbm>>, %arg5: memref<1152xi32, #tpu.memory_space<vmem>>, %arg6: memref<1152x64xf32, #tpu.memory_space<vmem>>, %arg7: memref<!tpu.dma_semaphore, #tpu.memory_space<semaphore_mem>>) attributes {dimension_semantics = [#tpu.dimension_semantics<core_parallel>, #tpu.dimension_semantics<subcore_parallel>], iteration_bounds = array<i64: 2, 16>, scalar_prefetch = 0 : i64, scratch_operands = 3 : i64, tpu.core_type = #tpu.core_type<sc_vector_subcore>, window_params = [{transform_indices = #map}, {transform_indices = #map1}, {transform_indices = #map}]} {
    %mul3A = arith.constant 2 : i32
    %mul3A_0 = arith.muli %arg1, %mul3A : i32
    %add3A = arith.addi %mul3A_0, %arg0 : i32
    %mul3A_1 = arith.constant 1152 : i32
    %mul3A_2 = arith.muli %add3A, %mul3A_1 : i32
    "tpu.region"() ({
      %run_scoped3A = tpu.sem_alloc : memref<!tpu.dma_semaphore, #tpu.memory_space<semaphore_mem>>
      %dma_start3A_145 = tpu.memref_slice %arg3[%mul3A_2] : memref<36864xi32, #tpu.memory_space<hbm>> -> memref<1152xi32, #tpu.memory_space<hbm>>
      %dma_start3A_146 = tpu.memref_slice %arg3[%mul3A_2] : memref<36864xi32, #tpu.memory_space<hbm>> -> memref<1152xi32, #tpu.memory_space<hbm>>
      tpu.enqueue_dma source(%dma_start3A_146 : memref<1152xi32, #tpu.memory_space<hbm>>) target(%arg5 : memref<1152xi32, #tpu.memory_space<vmem>>) target_semaphore(%run_scoped3A : memref<!tpu.dma_semaphore, #tpu.memory_space<semaphore_mem>>)
      %dma_wait3A_147 = tpu.memref_slice %arg3[%mul3A_2] : memref<36864xi32, #tpu.memory_space<hbm>> -> memref<1152xi32, #tpu.memory_space<hbm>>
      %dma_wait3A_148 = tpu.memref_slice %arg3[%mul3A_2] : memref<36864xi32, #tpu.memory_space<hbm>> -> memref<1152xi32, #tpu.memory_space<hbm>>
      tpu.wait_dma2 semaphore(%run_scoped3A : memref<!tpu.dma_semaphore, #tpu.memory_space<semaphore_mem>>) src(%dma_wait3A_148 : memref<1152xi32, #tpu.memory_space<hbm>>) dst(%arg5 : memref<1152xi32, #tpu.memory_space<vmem>>)
      tpu.yield
    }) : () -> ()
    %dma_start3A = arith.constant 0 : i32
    %dma_start3A_3 = arith.constant 0 : i32
    %dma_start3A_4 = tpu.memref_slice %arg6[%dma_start3A, %dma_start3A_3] : memref<1152x64xf32, #tpu.memory_space<vmem>> -> memref<128x64xf32, #tpu.memory_space<vmem>>
    %dma_start3A_5 = arith.constant 0 : i32
    %dma_start3A_6 = tpu.memref_slice %arg5[%dma_start3A_5] : memref<1152xi32, #tpu.memory_space<vmem>> -> memref<128xi32, #tpu.memory_space<vmem>>
    %dma_start3A_7 = arith.constant 0 : i32
    %dma_start3A_8 = arith.constant 0 : i32
    %dma_start3A_9 = tpu.memref_slice %arg2[%dma_start3A_7, %dma_start3A_8] : memref<1024x64xf32, #tpu.memory_space<hbm>> -> memref<1024x64xf32, #tpu.memory_space<hbm>>
    tpu.enqueue_indirect_dma source(%dma_start3A_9 : memref<1024x64xf32, #tpu.memory_space<hbm>>) target(%dma_start3A_4 : memref<128x64xf32, #tpu.memory_space<vmem>>) offsets(%dma_start3A_6 : memref<128xi32, #tpu.memory_space<vmem>>) semaphore(%arg7 : memref<!tpu.dma_semaphore, #tpu.memory_space<semaphore_mem>>)
    %dma_start3A_10 = arith.constant 128 : i32
    %dma_start3A_11 = arith.constant 0 : i32
    %dma_start3A_12 = tpu.memref_slice %arg6[%dma_start3A_10, %dma_start3A_11] : memref<1152x64xf32, #tpu.memory_space<vmem>> -> memref<128x64xf32, #tpu.memory_space<vmem>>
    %dma_start3A_13 = arith.constant 128 : i32
    %dma_start3A_14 = tpu.memref_slice %arg5[%dma_start3A_13] : memref<1152xi32, #tpu.memory_space<vmem>> -> memref<128xi32, #tpu.memory_space<vmem>>
    %dma_start3A_15 = arith.constant 0 : i32
    %dma_start3A_16 = arith.constant 0 : i32
    %dma_start3A_17 = tpu.memref_slice %arg2[%dma_start3A_15, %dma_start3A_16] : memref<1024x64xf32, #tpu.memory_space<hbm>> -> memref<1024x64xf32, #tpu.memory_space<hbm>>
    tpu.enqueue_indirect_dma source(%dma_start3A_17 : memref<1024x64xf32, #tpu.memory_space<hbm>>) target(%dma_start3A_12 : memref<128x64xf32, #tpu.memory_space<vmem>>) offsets(%dma_start3A_14 : memref<128xi32, #tpu.memory_space<vmem>>) semaphore(%arg7 : memref<!tpu.dma_semaphore, #tpu.memory_space<semaphore_mem>>)
    %dma_start3A_18 = arith.constant 256 : i32
    %dma_start3A_19 = arith.constant 0 : i32
    %dma_start3A_20 = tpu.memref_slice %arg6[%dma_start3A_18, %dma_start3A_19] : memref<1152x64xf32, #tpu.memory_space<vmem>> -> memref<128x64xf32, #tpu.memory_space<vmem>>
    %dma_start3A_21 = arith.constant 256 : i32
    %dma_start3A_22 = tpu.memref_slice %arg5[%dma_start3A_21] : memref<1152xi32, #tpu.memory_space<vmem>> -> memref<128xi32, #tpu.memory_space<vmem>>
    %dma_start3A_23 = arith.constant 0 : i32
    %dma_start3A_24 = arith.constant 0 : i32
    %dma_start3A_25 = tpu.memref_slice %arg2[%dma_start3A_23, %dma_start3A_24] : memref<1024x64xf32, #tpu.memory_space<hbm>> -> memref<1024x64xf32, #tpu.memory_space<hbm>>
    tpu.enqueue_indirect_dma source(%dma_start3A_25 : memref<1024x64xf32, #tpu.memory_space<hbm>>) target(%dma_start3A_20 : memref<128x64xf32, #tpu.memory_space<vmem>>) offsets(%dma_start3A_22 : memref<128xi32, #tpu.memory_space<vmem>>) semaphore(%arg7 : memref<!tpu.dma_semaphore, #tpu.memory_space<semaphore_mem>>)
    %dma_start3A_26 = arith.constant 384 : i32
    %dma_start3A_27 = arith.constant 0 : i32
    %dma_start3A_28 = tpu.memref_slice %arg6[%dma_start3A_26, %dma_start3A_27] : memref<1152x64xf32, #tpu.memory_space<vmem>> -> memref<128x64xf32, #tpu.memory_space<vmem>>
    %dma_start3A_29 = arith.constant 384 : i32
    %dma_start3A_30 = tpu.memref_slice %arg5[%dma_start3A_29] : memref<1152xi32, #tpu.memory_space<vmem>> -> memref<128xi32, #tpu.memory_space<vmem>>
    %dma_start3A_31 = arith.constant 0 : i32
    %dma_start3A_32 = arith.constant 0 : i32
    %dma_start3A_33 = tpu.memref_slice %arg2[%dma_start3A_31, %dma_start3A_32] : memref<1024x64xf32, #tpu.memory_space<hbm>> -> memref<1024x64xf32, #tpu.memory_space<hbm>>
    tpu.enqueue_indirect_dma source(%dma_start3A_33 : memref<1024x64xf32, #tpu.memory_space<hbm>>) target(%dma_start3A_28 : memref<128x64xf32, #tpu.memory_space<vmem>>) offsets(%dma_start3A_30 : memref<128xi32, #tpu.memory_space<vmem>>) semaphore(%arg7 : memref<!tpu.dma_semaphore, #tpu.memory_space<semaphore_mem>>)
    %dma_start3A_34 = arith.constant 512 : i32
    %dma_start3A_35 = arith.constant 0 : i32
    %dma_start3A_36 = tpu.memref_slice %arg6[%dma_start3A_34, %dma_start3A_35] : memref<1152x64xf32, #tpu.memory_space<vmem>> -> memref<128x64xf32, #tpu.memory_space<vmem>>
    %dma_start3A_37 = arith.constant 512 : i32
    %dma_start3A_38 = tpu.memref_slice %arg5[%dma_start3A_37] : memref<1152xi32, #tpu.memory_space<vmem>> -> memref<128xi32, #tpu.memory_space<vmem>>
    %dma_start3A_39 = arith.constant 0 : i32
    %dma_start3A_40 = arith.constant 0 : i32
    %dma_start3A_41 = tpu.memref_slice %arg2[%dma_start3A_39, %dma_start3A_40] : memref<1024x64xf32, #tpu.memory_space<hbm>> -> memref<1024x64xf32, #tpu.memory_space<hbm>>
    tpu.enqueue_indirect_dma source(%dma_start3A_41 : memref<1024x64xf32, #tpu.memory_space<hbm>>) target(%dma_start3A_36 : memref<128x64xf32, #tpu.memory_space<vmem>>) offsets(%dma_start3A_38 : memref<128xi32, #tpu.memory_space<vmem>>) semaphore(%arg7 : memref<!tpu.dma_semaphore, #tpu.memory_space<semaphore_mem>>)
    %dma_start3A_42 = arith.constant 640 : i32
    %dma_start3A_43 = arith.constant 0 : i32
    %dma_start3A_44 = tpu.memref_slice %arg6[%dma_start3A_42, %dma_start3A_43] : memref<1152x64xf32, #tpu.memory_space<vmem>> -> memref<128x64xf32, #tpu.memory_space<vmem>>
    %dma_start3A_45 = arith.constant 640 : i32
    %dma_start3A_46 = tpu.memref_slice %arg5[%dma_start3A_45] : memref<1152xi32, #tpu.memory_space<vmem>> -> memref<128xi32, #tpu.memory_space<vmem>>
    %dma_start3A_47 = arith.constant 0 : i32
    %dma_start3A_48 = arith.constant 0 : i32
    %dma_start3A_49 = tpu.memref_slice %arg2[%dma_start3A_47, %dma_start3A_48] : memref<1024x64xf32, #tpu.memory_space<hbm>> -> memref<1024x64xf32, #tpu.memory_space<hbm>>
    tpu.enqueue_indirect_dma source(%dma_start3A_49 : memref<1024x64xf32, #tpu.memory_space<hbm>>) target(%dma_start3A_44 : memref<128x64xf32, #tpu.memory_space<vmem>>) offsets(%dma_start3A_46 : memref<128xi32, #tpu.memory_space<vmem>>) semaphore(%arg7 : memref<!tpu.dma_semaphore, #tpu.memory_space<semaphore_mem>>)
    %dma_start3A_50 = arith.constant 768 : i32
    %dma_start3A_51 = arith.constant 0 : i32
    %dma_start3A_52 = tpu.memref_slice %arg6[%dma_start3A_50, %dma_start3A_51] : memref<1152x64xf32, #tpu.memory_space<vmem>> -> memref<128x64xf32, #tpu.memory_space<vmem>>
    %dma_start3A_53 = arith.constant 768 : i32
    %dma_start3A_54 = tpu.memref_slice %arg5[%dma_start3A_53] : memref<1152xi32, #tpu.memory_space<vmem>> -> memref<128xi32, #tpu.memory_space<vmem>>
    %dma_start3A_55 = arith.constant 0 : i32
    %dma_start3A_56 = arith.constant 0 : i32
    %dma_start3A_57 = tpu.memref_slice %arg2[%dma_start3A_55, %dma_start3A_56] : memref<1024x64xf32, #tpu.memory_space<hbm>> -> memref<1024x64xf32, #tpu.memory_space<hbm>>
    tpu.enqueue_indirect_dma source(%dma_start3A_57 : memref<1024x64xf32, #tpu.memory_space<hbm>>) target(%dma_start3A_52 : memref<128x64xf32, #tpu.memory_space<vmem>>) offsets(%dma_start3A_54 : memref<128xi32, #tpu.memory_space<vmem>>) semaphore(%arg7 : memref<!tpu.dma_semaphore, #tpu.memory_space<semaphore_mem>>)
    %dma_start3A_58 = arith.constant 896 : i32
    %dma_start3A_59 = arith.constant 0 : i32
    %dma_start3A_60 = tpu.memref_slice %arg6[%dma_start3A_58, %dma_start3A_59] : memref<1152x64xf32, #tpu.memory_space<vmem>> -> memref<128x64xf32, #tpu.memory_space<vmem>>
    %dma_start3A_61 = arith.constant 896 : i32
    %dma_start3A_62 = tpu.memref_slice %arg5[%dma_start3A_61] : memref<1152xi32, #tpu.memory_space<vmem>> -> memref<128xi32, #tpu.memory_space<vmem>>
    %dma_start3A_63 = arith.constant 0 : i32
    %dma_start3A_64 = arith.constant 0 : i32
    %dma_start3A_65 = tpu.memref_slice %arg2[%dma_start3A_63, %dma_start3A_64] : memref<1024x64xf32, #tpu.memory_space<hbm>> -> memref<1024x64xf32, #tpu.memory_space<hbm>>
    tpu.enqueue_indirect_dma source(%dma_start3A_65 : memref<1024x64xf32, #tpu.memory_space<hbm>>) target(%dma_start3A_60 : memref<128x64xf32, #tpu.memory_space<vmem>>) offsets(%dma_start3A_62 : memref<128xi32, #tpu.memory_space<vmem>>) semaphore(%arg7 : memref<!tpu.dma_semaphore, #tpu.memory_space<semaphore_mem>>)
    %dma_start3A_66 = arith.constant 1024 : i32
    %dma_start3A_67 = arith.constant 0 : i32
    %dma_start3A_68 = tpu.memref_slice %arg6[%dma_start3A_66, %dma_start3A_67] : memref<1152x64xf32, #tpu.memory_space<vmem>> -> memref<128x64xf32, #tpu.memory_space<vmem>>
    %dma_start3A_69 = arith.constant 1024 : i32
    %dma_start3A_70 = tpu.memref_slice %arg5[%dma_start3A_69] : memref<1152xi32, #tpu.memory_space<vmem>> -> memref<128xi32, #tpu.memory_space<vmem>>
    %dma_start3A_71 = arith.constant 0 : i32
    %dma_start3A_72 = arith.constant 0 : i32
    %dma_start3A_73 = tpu.memref_slice %arg2[%dma_start3A_71, %dma_start3A_72] : memref<1024x64xf32, #tpu.memory_space<hbm>> -> memref<1024x64xf32, #tpu.memory_space<hbm>>
    tpu.enqueue_indirect_dma source(%dma_start3A_73 : memref<1024x64xf32, #tpu.memory_space<hbm>>) target(%dma_start3A_68 : memref<128x64xf32, #tpu.memory_space<vmem>>) offsets(%dma_start3A_70 : memref<128xi32, #tpu.memory_space<vmem>>) semaphore(%arg7 : memref<!tpu.dma_semaphore, #tpu.memory_space<semaphore_mem>>)
    %dma_wait3A = arith.constant 0 : i32
    %dma_wait3A_74 = arith.constant 0 : i32
    %dma_wait3A_75 = tpu.memref_slice %arg6[%dma_wait3A, %dma_wait3A_74] : memref<1152x64xf32, #tpu.memory_space<vmem>> -> memref<128x64xf32, #tpu.memory_space<vmem>>
    %dma_wait3A_76 = arith.constant 0 : i32
    %dma_wait3A_77 = tpu.memref_slice %arg5[%dma_wait3A_76] : memref<1152xi32, #tpu.memory_space<vmem>> -> memref<128xi32, #tpu.memory_space<vmem>>
    %dma_wait3A_78 = arith.constant 0 : i32
    %dma_wait3A_79 = arith.constant 0 : i32
    %dma_wait3A_80 = tpu.memref_slice %arg2[%dma_wait3A_78, %dma_wait3A_79] : memref<1024x64xf32, #tpu.memory_space<hbm>> -> memref<1024x64xf32, #tpu.memory_space<hbm>>
    tpu.wait_indirect_dma semaphore(%arg7 : memref<!tpu.dma_semaphore, #tpu.memory_space<semaphore_mem>>) src(%dma_wait3A_80 : memref<1024x64xf32, #tpu.memory_space<hbm>>) dst(%dma_wait3A_75 : memref<128x64xf32, #tpu.memory_space<vmem>>)
    %dma_wait3A_81 = arith.constant 128 : i32
    %dma_wait3A_82 = arith.constant 0 : i32
    %dma_wait3A_83 = tpu.memref_slice %arg6[%dma_wait3A_81, %dma_wait3A_82] : memref<1152x64xf32, #tpu.memory_space<vmem>> -> memref<128x64xf32, #tpu.memory_space<vmem>>
    %dma_wait3A_84 = arith.constant 128 : i32
    %dma_wait3A_85 = tpu.memref_slice %arg5[%dma_wait3A_84] : memref<1152xi32, #tpu.memory_space<vmem>> -> memref<128xi32, #tpu.memory_space<vmem>>
    %dma_wait3A_86 = arith.constant 0 : i32
    %dma_wait3A_87 = arith.constant 0 : i32
    %dma_wait3A_88 = tpu.memref_slice %arg2[%dma_wait3A_86, %dma_wait3A_87] : memref<1024x64xf32, #tpu.memory_space<hbm>> -> memref<1024x64xf32, #tpu.memory_space<hbm>>
    tpu.wait_indirect_dma semaphore(%arg7 : memref<!tpu.dma_semaphore, #tpu.memory_space<semaphore_mem>>) src(%dma_wait3A_88 : memref<1024x64xf32, #tpu.memory_space<hbm>>) dst(%dma_wait3A_83 : memref<128x64xf32, #tpu.memory_space<vmem>>)
    %dma_wait3A_89 = arith.constant 256 : i32
    %dma_wait3A_90 = arith.constant 0 : i32
    %dma_wait3A_91 = tpu.memref_slice %arg6[%dma_wait3A_89, %dma_wait3A_90] : memref<1152x64xf32, #tpu.memory_space<vmem>> -> memref<128x64xf32, #tpu.memory_space<vmem>>
    %dma_wait3A_92 = arith.constant 256 : i32
    %dma_wait3A_93 = tpu.memref_slice %arg5[%dma_wait3A_92] : memref<1152xi32, #tpu.memory_space<vmem>> -> memref<128xi32, #tpu.memory_space<vmem>>
    %dma_wait3A_94 = arith.constant 0 : i32
    %dma_wait3A_95 = arith.constant 0 : i32
    %dma_wait3A_96 = tpu.memref_slice %arg2[%dma_wait3A_94, %dma_wait3A_95] : memref<1024x64xf32, #tpu.memory_space<hbm>> -> memref<1024x64xf32, #tpu.memory_space<hbm>>
    tpu.wait_indirect_dma semaphore(%arg7 : memref<!tpu.dma_semaphore, #tpu.memory_space<semaphore_mem>>) src(%dma_wait3A_96 : memref<1024x64xf32, #tpu.memory_space<hbm>>) dst(%dma_wait3A_91 : memref<128x64xf32, #tpu.memory_space<vmem>>)
    %dma_wait3A_97 = arith.constant 384 : i32
    %dma_wait3A_98 = arith.constant 0 : i32
    %dma_wait3A_99 = tpu.memref_slice %arg6[%dma_wait3A_97, %dma_wait3A_98] : memref<1152x64xf32, #tpu.memory_space<vmem>> -> memref<128x64xf32, #tpu.memory_space<vmem>>
    %dma_wait3A_100 = arith.constant 384 : i32
    %dma_wait3A_101 = tpu.memref_slice %arg5[%dma_wait3A_100] : memref<1152xi32, #tpu.memory_space<vmem>> -> memref<128xi32, #tpu.memory_space<vmem>>
    %dma_wait3A_102 = arith.constant 0 : i32
    %dma_wait3A_103 = arith.constant 0 : i32
    %dma_wait3A_104 = tpu.memref_slice %arg2[%dma_wait3A_102, %dma_wait3A_103] : memref<1024x64xf32, #tpu.memory_space<hbm>> -> memref<1024x64xf32, #tpu.memory_space<hbm>>
    tpu.wait_indirect_dma semaphore(%arg7 : memref<!tpu.dma_semaphore, #tpu.memory_space<semaphore_mem>>) src(%dma_wait3A_104 : memref<1024x64xf32, #tpu.memory_space<hbm>>) dst(%dma_wait3A_99 : memref<128x64xf32, #tpu.memory_space<vmem>>)
    %dma_wait3A_105 = arith.constant 512 : i32
    %dma_wait3A_106 = arith.constant 0 : i32
    %dma_wait3A_107 = tpu.memref_slice %arg6[%dma_wait3A_105, %dma_wait3A_106] : memref<1152x64xf32, #tpu.memory_space<vmem>> -> memref<128x64xf32, #tpu.memory_space<vmem>>
    %dma_wait3A_108 = arith.constant 512 : i32
    %dma_wait3A_109 = tpu.memref_slice %arg5[%dma_wait3A_108] : memref<1152xi32, #tpu.memory_space<vmem>> -> memref<128xi32, #tpu.memory_space<vmem>>
    %dma_wait3A_110 = arith.constant 0 : i32
    %dma_wait3A_111 = arith.constant 0 : i32
    %dma_wait3A_112 = tpu.memref_slice %arg2[%dma_wait3A_110, %dma_wait3A_111] : memref<1024x64xf32, #tpu.memory_space<hbm>> -> memref<1024x64xf32, #tpu.memory_space<hbm>>
    tpu.wait_indirect_dma semaphore(%arg7 : memref<!tpu.dma_semaphore, #tpu.memory_space<semaphore_mem>>) src(%dma_wait3A_112 : memref<1024x64xf32, #tpu.memory_space<hbm>>) dst(%dma_wait3A_107 : memref<128x64xf32, #tpu.memory_space<vmem>>)
    %dma_wait3A_113 = arith.constant 640 : i32
    %dma_wait3A_114 = arith.constant 0 : i32
    %dma_wait3A_115 = tpu.memref_slice %arg6[%dma_wait3A_113, %dma_wait3A_114] : memref<1152x64xf32, #tpu.memory_space<vmem>> -> memref<128x64xf32, #tpu.memory_space<vmem>>
    %dma_wait3A_116 = arith.constant 640 : i32
    %dma_wait3A_117 = tpu.memref_slice %arg5[%dma_wait3A_116] : memref<1152xi32, #tpu.memory_space<vmem>> -> memref<128xi32, #tpu.memory_space<vmem>>
    %dma_wait3A_118 = arith.constant 0 : i32
    %dma_wait3A_119 = arith.constant 0 : i32
    %dma_wait3A_120 = tpu.memref_slice %arg2[%dma_wait3A_118, %dma_wait3A_119] : memref<1024x64xf32, #tpu.memory_space<hbm>> -> memref<1024x64xf32, #tpu.memory_space<hbm>>
    tpu.wait_indirect_dma semaphore(%arg7 : memref<!tpu.dma_semaphore, #tpu.memory_space<semaphore_mem>>) src(%dma_wait3A_120 : memref<1024x64xf32, #tpu.memory_space<hbm>>) dst(%dma_wait3A_115 : memref<128x64xf32, #tpu.memory_space<vmem>>)
    %dma_wait3A_121 = arith.constant 768 : i32
    %dma_wait3A_122 = arith.constant 0 : i32
    %dma_wait3A_123 = tpu.memref_slice %arg6[%dma_wait3A_121, %dma_wait3A_122] : memref<1152x64xf32, #tpu.memory_space<vmem>> -> memref<128x64xf32, #tpu.memory_space<vmem>>
    %dma_wait3A_124 = arith.constant 768 : i32
    %dma_wait3A_125 = tpu.memref_slice %arg5[%dma_wait3A_124] : memref<1152xi32, #tpu.memory_space<vmem>> -> memref<128xi32, #tpu.memory_space<vmem>>
    %dma_wait3A_126 = arith.constant 0 : i32
    %dma_wait3A_127 = arith.constant 0 : i32
    %dma_wait3A_128 = tpu.memref_slice %arg2[%dma_wait3A_126, %dma_wait3A_127] : memref<1024x64xf32, #tpu.memory_space<hbm>> -> memref<1024x64xf32, #tpu.memory_space<hbm>>
    tpu.wait_indirect_dma semaphore(%arg7 : memref<!tpu.dma_semaphore, #tpu.memory_space<semaphore_mem>>) src(%dma_wait3A_128 : memref<1024x64xf32, #tpu.memory_space<hbm>>) dst(%dma_wait3A_123 : memref<128x64xf32, #tpu.memory_space<vmem>>)
    %dma_wait3A_129 = arith.constant 896 : i32
    %dma_wait3A_130 = arith.constant 0 : i32
    %dma_wait3A_131 = tpu.memref_slice %arg6[%dma_wait3A_129, %dma_wait3A_130] : memref<1152x64xf32, #tpu.memory_space<vmem>> -> memref<128x64xf32, #tpu.memory_space<vmem>>
    %dma_wait3A_132 = arith.constant 896 : i32
    %dma_wait3A_133 = tpu.memref_slice %arg5[%dma_wait3A_132] : memref<1152xi32, #tpu.memory_space<vmem>> -> memref<128xi32, #tpu.memory_space<vmem>>
    %dma_wait3A_134 = arith.constant 0 : i32
    %dma_wait3A_135 = arith.constant 0 : i32
    %dma_wait3A_136 = tpu.memref_slice %arg2[%dma_wait3A_134, %dma_wait3A_135] : memref<1024x64xf32, #tpu.memory_space<hbm>> -> memref<1024x64xf32, #tpu.memory_space<hbm>>
    tpu.wait_indirect_dma semaphore(%arg7 : memref<!tpu.dma_semaphore, #tpu.memory_space<semaphore_mem>>) src(%dma_wait3A_136 : memref<1024x64xf32, #tpu.memory_space<hbm>>) dst(%dma_wait3A_131 : memref<128x64xf32, #tpu.memory_space<vmem>>)
    %dma_wait3A_137 = arith.constant 1024 : i32
    %dma_wait3A_138 = arith.constant 0 : i32
    %dma_wait3A_139 = tpu.memref_slice %arg6[%dma_wait3A_137, %dma_wait3A_138] : memref<1152x64xf32, #tpu.memory_space<vmem>> -> memref<128x64xf32, #tpu.memory_space<vmem>>
    %dma_wait3A_140 = arith.constant 1024 : i32
    %dma_wait3A_141 = tpu.memref_slice %arg5[%dma_wait3A_140] : memref<1152xi32, #tpu.memory_space<vmem>> -> memref<128xi32, #tpu.memory_space<vmem>>
    %dma_wait3A_142 = arith.constant 0 : i32
    %dma_wait3A_143 = arith.constant 0 : i32
    %dma_wait3A_144 = tpu.memref_slice %arg2[%dma_wait3A_142, %dma_wait3A_143] : memref<1024x64xf32, #tpu.memory_space<hbm>> -> memref<1024x64xf32, #tpu.memory_space<hbm>>
    tpu.wait_indirect_dma semaphore(%arg7 : memref<!tpu.dma_semaphore, #tpu.memory_space<semaphore_mem>>) src(%dma_wait3A_144 : memref<1024x64xf32, #tpu.memory_space<hbm>>) dst(%dma_wait3A_139 : memref<128x64xf32, #tpu.memory_space<vmem>>)
    "tpu.region"() ({
      %run_scoped3A = tpu.sem_alloc : memref<!tpu.dma_semaphore, #tpu.memory_space<semaphore_mem>>
      %dma_start3A_145 = arith.constant 0 : i32
      %dma_start3A_146 = tpu.memref_slice %arg4[%mul3A_2, %dma_start3A_145] : memref<36864x64xf32, #tpu.memory_space<hbm>> -> memref<1152x64xf32, #tpu.memory_space<hbm>>
      %dma_start3A_147 = arith.constant 0 : i32
      %dma_start3A_148 = tpu.memref_slice %arg4[%mul3A_2, %dma_start3A_147] : memref<36864x64xf32, #tpu.memory_space<hbm>> -> memref<1152x64xf32, #tpu.memory_space<hbm>>
      tpu.enqueue_dma source(%arg6 : memref<1152x64xf32, #tpu.memory_space<vmem>>) target(%dma_start3A_148 : memref<1152x64xf32, #tpu.memory_space<hbm>>) target_semaphore(%run_scoped3A : memref<!tpu.dma_semaphore, #tpu.memory_space<semaphore_mem>>)
      %dma_wait3A_149 = arith.constant 0 : i32
      %dma_wait3A_150 = tpu.memref_slice %arg4[%mul3A_2, %dma_wait3A_149] : memref<36864x64xf32, #tpu.memory_space<hbm>> -> memref<1152x64xf32, #tpu.memory_space<hbm>>
      %dma_wait3A_151 = arith.constant 0 : i32
      %dma_wait3A_152 = tpu.memref_slice %arg4[%mul3A_2, %dma_wait3A_151] : memref<36864x64xf32, #tpu.memory_space<hbm>> -> memref<1152x64xf32, #tpu.memory_space<hbm>>
      tpu.wait_dma2 semaphore(%run_scoped3A : memref<!tpu.dma_semaphore, #tpu.memory_space<semaphore_mem>>) src(%arg6 : memref<1152x64xf32, #tpu.memory_space<vmem>>) dst(%dma_wait3A_152 : memref<1152x64xf32, #tpu.memory_space<hbm>>)
      tpu.yield
    }) : () -> ()
    return
  }
}

module attributes {stable_mosaic.version = 14 : i64} {
  func.func @_tc_body(%arg0: i32, %arg1: memref<1024x64xf32, #tpu.memory_space<vmem>>, %arg2: memref<1024x64xf32, #tpu.memory_space<vmem>>, %arg3: memref<1x1024xf32, #tpu.memory_space<vmem>>, %arg4: memref<1x1024xf32, #tpu.memory_space<vmem>>, %arg5: memref<1024xi32, #tpu.memory_space<vmem>>, %arg6: memref<1x1xf32, #tpu.memory_space<smem>>) attributes {dimension_semantics = [#tpu.dimension_semantics<arbitrary>], iteration_bounds = array<i64: 36>, scalar_prefetch = 0 : i64, scratch_operands = 0 : i64, tpu.core_type = #tpu.core_type<tc>, window_params = [{transform_indices = @transform_0, window_bounds = array<i64: 1024, 64>}, {pipeline_mode = #tpu.pipeline_mode<synchronous>, transform_indices = @transform_1, window_bounds = array<i64: 1024, 64>}, {pipeline_mode = #tpu.pipeline_mode<synchronous>, transform_indices = @transform_2, window_bounds = array<i64: 1, 1024>}, {pipeline_mode = #tpu.pipeline_mode<synchronous>, transform_indices = @transform_3, window_bounds = array<i64: 1, 1024>}, {transform_indices = @transform_4, window_bounds = array<i64: 1024>}, {transform_indices = @transform_5, window_bounds = array<i64: 1, 1>}]} {
    %get3A = arith.constant 0 : index
    %get3A_0 = arith.constant 0 : index
    %get3A_1 = vector.load %arg1[%get3A, %get3A_0] : memref<1024x64xf32, #tpu.memory_space<vmem>>, vector<1024x64xf32>
    %eq3A = arith.constant 0 : i32
    %eq3A_2 = arith.cmpi eq, %arg0, %eq3A : i32
    %convert_element_type3A = arith.extui %eq3A_2 : i1 to i32
    %cond3A = arith.constant 0 : i32
    %cond3A_3 = arith.cmpi ne, %convert_element_type3A, %cond3A : i32
    scf.if %cond3A_3 {
      %swap3A_48 = arith.constant 0.000000e+00 : f32
      %swap3A_49 = arith.constant 0 : index
      %swap3A_50 = arith.constant 0 : index
      %swap3A_51 = memref.load %arg6[%swap3A_49, %swap3A_50] : memref<1x1xf32, #tpu.memory_space<smem>>
      memref.store %swap3A_48, %arg6[%swap3A_49, %swap3A_50] : memref<1x1xf32, #tpu.memory_space<smem>>
    } else {
    }
    %get3A_4 = arith.constant 0 : index
    %get3A_5 = arith.constant 0 : index
    %get3A_6 = vector.load %arg2[%get3A_4, %get3A_5] : memref<1024x64xf32, #tpu.memory_space<vmem>>, vector<1024x64xf32>
    %dot_general3A = arith.constant dense<0.000000e+00> : vector<1024x1024xf32>
    %dot_general3A_7 = tpu.matmul %get3A_1, %get3A_6, %dot_general3A {dimension_numbers = #tpu.dot_dimension_numbers<[1], [1], [0], [0], [0, 0, 1, 0], [], []>, transpose_lhs_hint = false} : vector<1024x64xf32>, vector<1024x64xf32>, vector<1024x1024xf32> -> vector<1024x1024xf32>
    %mul3A = arith.mulf %get3A_1, %get3A_1 : vector<1024x64xf32>
    %reduce_sum3A = arith.constant dense<0.000000e+00> : vector<1024xf32>
    %reduce_sum3A_8 = vector.multi_reduction <add>, %mul3A, %reduce_sum3A [1] : vector<1024x64xf32> to vector<1024xf32>
    %broadcast_in_dim3A = vector.shape_cast %reduce_sum3A_8 : vector<1024xf32> to vector<1024x1xf32>
    %mul3A_9 = arith.constant 2.000000e+00 : f32
    %mul3A_10 = vector.broadcast %mul3A_9 : f32 to vector<1024x1024xf32>
    %mul3A_11 = arith.mulf %mul3A_10, %dot_general3A_7 : vector<1024x1024xf32>
    %sub3A = vector.broadcast %broadcast_in_dim3A : vector<1024x1xf32> to vector<1024x1024xf32>
    %sub3A_12 = arith.subf %sub3A, %mul3A_11 : vector<1024x1024xf32>
    %get3A_13 = arith.constant 0 : index
    %get3A_14 = arith.constant 0 : index
    %get3A_15 = vector.load %arg3[%get3A_13, %get3A_14] : memref<1x1024xf32, #tpu.memory_space<vmem>>, vector<1x1024xf32>
    %add3A = vector.broadcast %get3A_15 : vector<1x1024xf32> to vector<1024x1024xf32>
    %add3A_16 = arith.addf %sub3A_12, %add3A : vector<1024x1024xf32>
    %reduce_min3A = arith.constant dense<0x7F800000> : vector<1024xf32>
    %reduce_min3A_17 = vector.multi_reduction <minimumf>, %add3A_16, %reduce_min3A [1] : vector<1024x1024xf32> to vector<1024xf32>
    %get3A_18 = arith.constant 0 : index
    %get3A_19 = arith.constant 0 : index
    %get3A_20 = vector.load %arg4[%get3A_18, %get3A_19] : memref<1x1024xf32, #tpu.memory_space<vmem>>, vector<1x1024xf32>
    %broadcast_in_dim3A_21 = vector.shape_cast %get3A_20 : vector<1x1024xf32> to vector<1x1024xf32>
    %broadcast_in_dim3A_22 = vector.broadcast %broadcast_in_dim3A_21 : vector<1x1024xf32> to vector<1024x1024xf32>
    %broadcast_in_dim3A_23 = vector.shape_cast %reduce_min3A_17 : vector<1024xf32> to vector<1024x1xf32>
    %eq3A_24 = vector.broadcast %broadcast_in_dim3A_23 : vector<1024x1xf32> to vector<1024x1024xf32>
    %eq3A_25 = arith.cmpf oeq, %add3A_16, %eq3A_24 : vector<1024x1024xf32>
    %jit3A = arith.constant 1.024000e+03 : f32
    %broadcast_in_dim3A_26 = vector.broadcast %jit3A : f32 to vector<1024x1024xf32>
    %select_n3A = arith.select %eq3A_25, %broadcast_in_dim3A_22, %broadcast_in_dim3A_26 : vector<1024x1024xi1>, vector<1024x1024xf32>
    %reduce_min3A_27 = arith.constant dense<0x7F800000> : vector<1024xf32>
    %reduce_min3A_28 = vector.multi_reduction <minimumf>, %select_n3A, %reduce_min3A_27 [1] : vector<1024x1024xf32> to vector<1024xf32>
    %convert_element_type3A_29 = arith.fptosi %reduce_min3A_28 : vector<1024xf32> to vector<1024xi32>
    %swap3A = arith.constant 0 : index
    %swap3A_30 = vector.load %arg5[%swap3A] : memref<1024xi32, #tpu.memory_space<vmem>>, vector<1024xi32>
    tpu.vector_store %arg5[%swap3A], %convert_element_type3A_29 {strides = array<i32>} : memref<1024xi32, #tpu.memory_space<vmem>>, vector<1024xi32>,
    %get3A_31 = arith.constant 0 : index
    %get3A_32 = arith.constant 0 : index
    %get3A_33 = memref.load %arg6[%get3A_31, %get3A_32] : memref<1x1xf32, #tpu.memory_space<smem>>
    %reduce_sum3A_34 = vector.shape_cast %reduce_min3A_17 : vector<1024xf32> to vector<1x1024xf32>
    %reduce_sum3A_35 = arith.constant dense<0.000000e+00> : vector<1xf32>
    %reduce_sum3A_36 = vector.multi_reduction <add>, %reduce_sum3A_34, %reduce_sum3A_35 [1] : vector<1x1024xf32> to vector<1xf32>
    %reduce_sum3A_37 = vector.shape_cast %reduce_sum3A_36 : vector<1xf32> to vector<1x1xf32>
    %reduce_sum3A_38 = vector.extract %reduce_sum3A_37[0, 0] : f32 from vector<1x1xf32>
    %add3A_39 = arith.addf %get3A_33, %reduce_sum3A_38 : f32
    %swap3A_40 = arith.constant 0 : index
    %swap3A_41 = arith.constant 0 : index
    %swap3A_42 = memref.load %arg6[%swap3A_40, %swap3A_41] : memref<1x1xf32, #tpu.memory_space<smem>>
    memref.store %add3A_39, %arg6[%swap3A_40, %swap3A_41] : memref<1x1xf32, #tpu.memory_space<smem>>
    %eq3A_43 = arith.constant 35 : i32
    %eq3A_44 = arith.cmpi eq, %arg0, %eq3A_43 : i32
    %convert_element_type3A_45 = arith.extui %eq3A_44 : i1 to i32
    %cond3A_46 = arith.constant 0 : i32
    %cond3A_47 = arith.cmpi ne, %convert_element_type3A_45, %cond3A_46 : i32
    scf.if %cond3A_47 {
      %get3A_48 = arith.constant 0 : index
      %get3A_49 = arith.constant 0 : index
      %get3A_50 = memref.load %arg6[%get3A_48, %get3A_49] : memref<1x1xf32, #tpu.memory_space<smem>>
      %mul3A_51 = arith.constant 5.2981909E-7 : f32
      %mul3A_52 = arith.mulf %get3A_50, %mul3A_51 : f32
      %swap3A_53 = arith.constant 0 : index
      %swap3A_54 = arith.constant 0 : index
      %swap3A_55 = memref.load %arg6[%swap3A_53, %swap3A_54] : memref<1x1xf32, #tpu.memory_space<smem>>
      memref.store %mul3A_52, %arg6[%swap3A_53, %swap3A_54] : memref<1x1xf32, #tpu.memory_space<smem>>
    } else {
    }
    return
  }
  func.func @transform_0(%arg0: i32) -> (i32, i32) {
    %c0_i32 = arith.constant 0 : i32
    %c0_i32_0 = arith.constant 0 : i32
    return %arg0, %c0_i32 : i32, i32
  }
  func.func @transform_1(%arg0: i32) -> (i32, i32) {
    %c0_i32 = arith.constant 0 : i32
    %c0_i32_0 = arith.constant 0 : i32
    %c0_i32_1 = arith.constant 0 : i32
    return %c0_i32, %c0_i32_0 : i32, i32
  }
  func.func @transform_2(%arg0: i32) -> (i32, i32) {
    %c0_i32 = arith.constant 0 : i32
    %c0_i32_0 = arith.constant 0 : i32
    %c0_i32_1 = arith.constant 0 : i32
    return %c0_i32, %c0_i32_0 : i32, i32
  }
  func.func @transform_3(%arg0: i32) -> (i32, i32) {
    %c0_i32 = arith.constant 0 : i32
    %c0_i32_0 = arith.constant 0 : i32
    %c0_i32_1 = arith.constant 0 : i32
    return %c0_i32, %c0_i32_0 : i32, i32
  }
  func.func @transform_4(%arg0: i32) -> i32 {
    %c0_i32 = arith.constant 0 : i32
    return %arg0 : i32
  }
  func.func @transform_5(%arg0: i32) -> (i32, i32) {
    %c0_i32 = arith.constant 0 : i32
    %c0_i32_0 = arith.constant 0 : i32
    %c0_i32_1 = arith.constant 0 : i32
    return %c0_i32, %c0_i32_0 : i32, i32
  }
}

</mosaic_0001>

<sc_bundles>
// kernel: kernel.4.cloned.1.call-start
scs
__scs_entry_jumppad:
0x0: {  	(pc) =	sbr.rel $0x88, $3  }
0x1: {  	(tag) =	ssettag $0x0;
	lr =	simm.s32 $0x1  }
0x2: {  	[smem:$0x3F9F] =	sst lr;
	_ =	strace $0xD0000000  }
0x3: {  	_ = 	snop  }
0x4: {  	_ = 	snop  }
0x5: {  	_ = 	snop  }
0x6: {  	_ = 	snop  }
0x7: {  	_ = 	snop  }
__scs_overlays_trampoline_lowered:
0x8: {  	[smem:$0x3FAE] =	sst s0  }
0x9: {  	[smem:$0x3FAF] =	sst s1  }
0xa: {  	[smem:$0x3FB0] =	sst s2  }
0xb: {  	[smem:$0x3FB1] =	sst s3  }
0xc: {  	[smem:$0x3FB2] =	sst s4  }
0xd: {  	[smem:$0x3FB3] =	sst s5  }
0xe: {  	[smem:$0x3FB4] =	sst s6  }
0xf: {  	[smem:$0x3FB5] =	sst s7  }
0x10: {  	[smem:$0x3FB6] =	sst s8  }
0x11: {  	[smem:$0x3FB7] =	sst s9;
	s0 =	simm.s32 @!p0 $0x0  }
0x12: {  	s1 =	sld [smem:$0x3F9D];
	s0 =	simm.s32 @p0 $0x1  }
0x13: {  	[smem:$0x3FB8] =	sst s0;
	s0 =	simm.s32 @!p1 $0x0  }
0x14: {  	s2 =	sld [smem:$0x3F9C];
	s0 =	simm.s32 @p1 $0x1  }
0x15: {  	[smem:$0x3FB9] =	sst s0;
	s0 =	simm.s32 @!p2 $0x0  }
0x16: {  	s3 =	sld [smem:$0x3FDB];
	s0 =	simm.s32 @p2 $0x1  }
0x17: {  	s4 =	simm.s32 $0x1BF5;
	[smem:$0x3FBB] =	sst s0  }
0x18: {  	s0 =	sld [smem:$0x3F9E];
	_ =	swait.ge [sflag:s4], $0x0  }
0x19: {  	s7 =	sld [smem:$0x3F9F]  }
0x1a: {  	s8 =	sadd.s32 $0xFFFFE003, lr  }
0x1b: {  	s9 =	sadd.s32 $0xFFFFFEF7, lr;
	s5 =	simm.s32 $0xFFFFFFFF;
	p2 =	slt.u32 s8, $0xFFFFF086  }
0x1c: {  	p1 =	slt.u32 s9, $0xF7A;
	s5 =	simm.s32 @!p2 $0x0  }
0x1d: {  	s5 =	simm.s32 @p1 $0x1;
	p0 =	seq.s32 s7, s2  }
0x1e: {  	s7 =	smul.u32 @!p0 $0xF7A, s2;
	p2 =	seq.s32 @!p0 s5, $0x0  }
0x1f: {  	s9 =	smul.u32 $0xF7A, s1;
	s8 =	simm.s32 @!p0 $0x1BF5;
	p2 =	por !p2, p0  }
0x20: {  	[sflag:s8] =	ssyncset.s32 @!p0 $0xFFFFF086;
	s6 =	sadd.s32 @!p0 s3, s7;
	s7 =	simm.s32 @!p0 $0x108  }
0x21: {  	s3 =	sadd.s32 s3, s9;
	s6 =	sadd.s32 @!p0 $0x88, s6;
	s7 =	simm.s32 @p2 $0x1082  }
0x22: {  	[simem:s7], [sflag:s8] =	dma.local @!p0 [hbm:s6], $0xF7A  }
0x23: {  	s9 =	sor.u32 $0xD0000000, s2;
	s6 =	simm.s32 $0x108;
	_ =	swait.ge @!p0 [sflag:s8], $0x0  }
0x24: {  	s3 =	sadd.s32 $0x88, s3;
	s6 =	simm.s32 @!p1 $0x1082;
	[sflag:s4] =	ssyncset.s32 $0xFFFFF086  }
0x25: {  	[simem:s6], [sflag:s4] =	dma.local [hbm:s3], $0xF7A  }
0x26: {  	[smem:$0x3F9F] =	sst s1;
	(tag) =	ssettag s2;
	_ =	strace s9  }
0x27: {  	s1 =	sld [smem:$0x3FAF]  }
0x28: {  	s2 =	sld [smem:$0x3FB0]  }
0x29: {  	s4 =	sld [smem:$0x3FB2]  }
0x2a: {  	p0 =	seq.s32 s5, $0x0;
	s5 =	sld [smem:$0x3FB3]  }
0x2b: {  	s6 =	sld [smem:$0x3FB4]  }
0x2c: {  	s7 =	sld [smem:$0x3FB5]  }
0x2d: {  	s3 =	simm.s32 $0x108;
	s8 =	sld [smem:$0x3FB6]  }
0x2e: {  	s3 =	simm.s32 @!p0 $0x1082;
	s9 =	sld [smem:$0x3FB7]  }
0x2f: {  	lr =	sadd.s32 s0, s3;
	s0 =	sld [smem:$0x3FAE]  }
0x30: {  	s3 =	sld [smem:$0x3FB1]  }
0x31: {  	[smem:$0x3FBA] =	sst s10  }
0x32: {  	s10 =	sld [smem:$0x3FB8];
	_ =	sdelay $0x3  }
0x33: {  	p0 =	seq.s32 s10, $0x1;
	s10 =	sld [smem:$0x3FBA];
	_ =	sdelay $0x3  }
0x34: {  	[smem:$0x3FBA] =	sst s10  }
0x35: {  	s10 =	sld [smem:$0x3FB9];
	_ =	sdelay $0x3  }
0x36: {  	p1 =	seq.s32 s10, $0x1;
	s10 =	sld [smem:$0x3FBA];
	_ =	sdelay $0x3  }
0x37: {  	[smem:$0x3FBA] =	sst s10  }
0x38: {  	s10 =	sld [smem:$0x3FBB]  }
0x39: {  	_ = 	snop;
	(pc) =	sbr.ind lr, $3  }
0x3a: {  	_ = 	snop  }
0x3b: {  	_ = 	snop  }
0x3c: {  	p2 =	seq.s32 s10, $0x1;
	s10 =	sld [smem:$0x3FBA]  }
0x3d: {  	_ =	shalt  }
0x3e: {  	_ =	shalt  }
0x3f: {  	_ =	shalt  }
0x40: {  	_ =	shalt  }
0x41: {  	_ =	shalt  }
0x42: {  	_ =	shalt  }
0x43: {  	_ =	shalt  }
0x44: {  	_ =	shalt  }
0x45: {  	_ =	shalt  }
0x46: {  	_ =	shalt  }
0x47: {  	_ =	shalt  }
0x48: {  	_ =	shalt  }
0x49: {  	_ =	shalt  }
0x4a: {  	_ =	shalt  }
0x4b: {  	_ =	shalt  }
0x4c: {  	_ =	shalt  }
0x4d: {  	_ =	shalt  }
0x4e: {  	_ =	shalt  }
0x4f: {  	_ =	shalt  }
0x50: {  	_ =	shalt  }
0x51: {  	_ =	shalt  }
0x52: {  	_ =	shalt  }
0x53: {  	_ =	shalt  }
0x54: {  	_ =	shalt  }
0x55: {  	_ =	shalt  }
0x56: {  	_ =	shalt  }
0x57: {  	_ =	shalt  }
0x58: {  	_ =	shalt  }
0x59: {  	_ =	shalt  }
0x5a: {  	_ =	shalt  }
0x5b: {  	_ =	shalt  }
0x5c: {  	_ =	shalt  }
0x5d: {  	_ =	shalt  }
0x5e: {  	_ =	shalt  }
0x5f: {  	_ =	shalt  }
0x60: {  	_ =	shalt  }
0x61: {  	_ =	shalt  }
0x62: {  	_ =	shalt  }
0x63: {  	_ =	shalt  }
0x64: {  	_ =	shalt  }
0x65: {  	_ =	shalt  }
0x66: {  	_ =	shalt  }
0x67: {  	_ =	shalt  }
0x68: {  	_ =	shalt  }
0x69: {  	_ =	shalt  }
0x6a: {  	_ =	shalt  }
0x6b: {  	_ =	shalt  }
0x6c: {  	_ =	shalt  }
0x6d: {  	_ =	shalt  }
0x6e: {  	_ =	shalt  }
0x6f: {  	_ =	shalt  }
0x70: {  	_ =	shalt  }
0x71: {  	_ =	shalt  }
0x72: {  	_ =	shalt  }
0x73: {  	_ =	shalt  }
0x74: {  	_ =	shalt  }
0x75: {  	_ =	shalt  }
0x76: {  	_ =	shalt  }
0x77: {  	_ =	shalt  }
0x78: {  	_ =	shalt  }
0x79: {  	_ =	shalt  }
0x7a: {  	_ =	shalt  }
0x7b: {  	_ =	shalt  }
0x7c: {  	_ =	shalt  }
0x7d: {  	_ =	shalt  }
0x7e: {  	_ =	shalt  }
0x7f: {  	_ =	shalt  }
0x80: {  	_ =	shalt  }
0x81: {  	_ =	shalt  }
0x82: {  	_ =	shalt  }
0x83: {  	_ =	shalt  }
0x84: {  	_ =	shalt  }
0x85: {  	_ =	shalt  }
0x86: {  	_ =	shalt  }
0x87: {  	_ =	shalt  }
.Lfunc_end0:
.L_simem_size_0:
called_computation_lowered:
.L_overlay_start_0:
0x88: {  	s2 =	sld [smem:$0x3FD9]  }
0x89: {  	s3 =	sld [smem:$0x3FFE];
	_ =	sdelay $0x1  }
0x8a: {  	s1 =	srdreg.scid  }
0x8b: {  	s0 =	sand.u32 $0x1, s1  }
0x8c: {  	s14 =	sshll.u32 s0, $0xA;
	s2 =	sadd.s32 s3, s2  }
0x8d: {  	s2 =	sadd.s32 s2, s14  }
0x8e: {  	[smem:$0x3FC6] =	sst s2  }
0x8f: {  	_ = 	snop  }
0x90: {  	s2 =	sld [smem:$0x3FD0];
	_ =	sdelay $0x2  }
0x91: {  	s15 =	simm.s32 $0xA;
	s4 =	simm.s32 $0x10  }
0x92: {  	[smem:s4], [sflag:s15] =	dma.local [hbm:s2], $0x1  }
0x93: {  	_ =	swait.eq [sflag:s15], $0x1  }
0x94: {  	[sflag:s15] =	ssyncset.done $0x0  }
0x95: {  	[sflag:s15] =	ssyncadd.s32 $0xFFFFFFFF  }
0x96: {  	s16 =	sld [smem:$0x10];
	(tm) =	ssettm $0x1  }
0x97: {  	s17 =	sld [smem:$0x3FFB];
	_ =	sdelay $0x3  }
0x98: {  	_ =	strace s17  }
0x99: {  	s3 =	sld [smem:$0x3FFC];
	_ =	sdelay $0x3  }
0x9a: {  	_ =	strace s3  }
0x9b: {  	s3 =	sld [smem:$0x3FFD];
	_ =	sdelay $0x3  }
0x9c: {  	_ =	strace s3  }
0x9d: {  	_ =	strace $0x8FFFFFFF  }
0x9e: {  	s18 =	sld [smem:$0x3FDB];
	_ =	sdelay $0x1  }
0x9f: {  	s19 =	simm.s32 $_scs_section_size  }
0xa0: {  	s5 =	simm.s32 $_size__tile_overlayer_lowered;
	s6 =	simm.s32 $_tile_overlayer_lowered  }
0xa1: {  	s22 =	simm.s32 $0x1BFF;
	s21 =	sshll.u32 s6, $0x1;
	s3 =	sadd.s32 s19, s18  }
0xa2: {  	s7 =	simm.s32 $0x0;
	s20 =	sshll.u32 s5, $0x1;
	s5 =	sadd.s32 s21, s3  }
0xa3: {  	[timem:s7], [sflag:s22] =	dma.local [hbm:s5], s20  }
0xa4: {  	_ =	swait.ge [sflag:s22], s20  }
0xa5: {  	s4 =	ssub.s32 $0x0, s20;
	[sflag:s22] =	ssyncset.done $0x0  }
0xa6: {  	[sflag:s22] =	ssyncadd.s32 s4;
	_ =	sdelay $0x1  }
0xa7: {  	s23 =	simm.s32 $0x1B8B  }
0xa8: {  	_ =	swait.ge [sflag:s23], $0x1  }
0xa9: {  	[sflag:s23] =	ssyncset.done $0x0  }
0xaa: {  	s25 =	simm.s32 $0x1B8E;
	s24 =	sld [smem:$0x3FFE];
	[sflag:s23] =	ssyncadd.s32 $0xFFFFFFFF  }
0xab: {  	s26 =	simm.s32 $execute0_lowered;
	[smem:$0x3FD2] =	sst s25  }
0xac: {  	s5 =	sshll.u32 s26, $0x1;
	_ =	strace $0x80000046;
	[dreg:$0x1] =	wrdreg $0xFFFFFFFF  }
0xad: {  	s28 =	simm.s32 $_size_execute0_lowered;
	s3 =	sadd.s32 s3, s5;
	[dreg:$0x0] =	wrdreg $0x0  }
0xae: {  	s5 =	sshll.u32 s28, $0x1;
	[dreg:$0x2] =	wrdreg s3  }
0xaf: {  	[dreg:$0x3] =	wrdreg s5  }
0xb0: {  	[dreg:$0x4] =	wrdreg $0xC0  }
0xb1: {  	_ =	task [dreg:s7], $0x5FFFF  }
0xb2: {  	[dreg:$0x1] =	wrdreg $0xFFFFFFFF  }
0xb3: {  	[dreg:$0x0] =	wrdreg $0x60  }
0xb4: {  	[dreg:$0x2] =	wrdreg s24  }
0xb5: {  	[dreg:$0x3] =	wrdreg s16  }
0xb6: {  	[dreg:$0x4] =	wrdreg $0x9  }
0xb7: {  	_ =	task.clear_ibuf [dreg:s7], $0x5FFFF;
	_ =	strace $0x90000046  }
0xb8: {  	s29 =	simm.s32 $0x9;
	_ =	strace $0x80000048  }
0xb9: {  	_ =	swait.ge [sflag:s29], $0x1  }
0xba: {  	[sflag:s29] =	ssyncadd.s32 $0xFFFFFFFF  }
0xbb: {  	_ =	strace $0x90000048  }
0xbc: {  	_ =	sfence  }
0xbd: {  	s30 =	sld [smem:$0x0];
	_ =	sdelay $0x2  }
0xbe: {  	s31 =	sshll.u32 s1, $0xD;
	s1 =	sshrl.u32 s1, $0x2  }
0xbf: {  	s3 =	sand.u32 $0x4000, s31;
	s1 =	sadd.s32 s1, s30  }
0xc0: {  	s0 =	sor.u32 s3, s0;
	s1 =	sshll.u32 s1, $0x11  }
0xc1: {  	s0 =	sor.u32 s1, s0  }
0xc2: {  	s0 =	sadd.s32 $0x8F2B, s0  }
0xc3: {  	[sflag:s0] =	ssyncadd.remote.s32 $0x1  }
0xc4: {  	_ =	sfence.sel $0xFFFF  }
0xc5: {  	[dreg:$0x0] =	wrdreg $0xFFFFFFFF;
	(pc) =	sbr.abs _section_cstart, $3  }
0xc6: {  	[dreg:$0x1] =	wrdreg $0xFFFFFFFF  }
0xc7: {  	_ =	task.clear_ibuf [dreg:s7], $0x2FFFF;
	_ =	strace $0x9FFFFFFF  }
0xc8: {  	(tm) =	ssettm $0x7FFFFFFF  }
0xc9: {  	_ =	shalt  }
tec
execute0_lowered:
.L_overlay_start_1:
0x0: {  	(tag) =	ssettag $0x1  }
0x1: {  	s1 =	srdreg.scid;
	s0 =	stileid.u32  }
0x2: {  	s25 =	sand.u32 $0x1, s1;
	s31 =	sshll.u32 s0, $0x1  }
0x3: {  	s5 =	rddreg [dreg:$0x0];
	s26 =	sor.u32 s25, s31  }
0x4: {  	s24 =	rddreg [dreg:$0x1];
	s3 =	smul.u32 $0x90, s26  }
0x5: {  	s2 =	simm.s32 $0x0;
	s1 =	rddreg [dreg:$0x2]  }
0x6: {  	[smem:$0x7FF] =	sst s2;
	s3 =	sadd.s32 s3, s5  }
0x7: {  	_ =	strace $0x80000047;
	s4 =	sadd.s32 $0x2600, s3;
	s3 =	simm.s32 $0x2  }
0x8: {  	[tilespmem:s2], [sflag:$0x2] =	stream.linear.gather [hbm4b:s4+s2], $0x480, $0x38;
	[tilespmem:$0x12480] =	vst v63  }
0x9: {  	_ =	swait.ge [sflag:s3], $0x480  }
0xa: {  	s6 =	simm.s32 $0x80;
	[sflag:s3] =	ssyncset.done $0x0  }
0xb: {  	s7 =	simm.s32 $0x480;
	s5 =	sadd.s32 $0x600, s5;
	[sflag:s3] =	ssyncadd.s32 $0xFFFFFB80  }
0xc: {  	[tilespmem:s7], [sflag:$0x1] =	stream.indirect.gather [hbm4b:s5+s6], $0x40, s2, s6, $0xb8;
	[tilespmem:$0x12480] =	vst v63  }
0xd: {  	s8 =	simm.s32 $0x2480  }
0xe: {  	[tilespmem:s8], [sflag:$0x1] =	stream.indirect.gather [hbm4b:s5+s6], $0x40, s6, s6, $0xb8;
	[tilespmem:$0x12480] =	vst v63  }
0xf: {  	s9 =	simm.s32 $0x100;
	s10 =	simm.s32 $0x4480  }
0x10: {  	[tilespmem:s10], [sflag:$0x1] =	stream.indirect.gather [hbm4b:s5+s6], $0x40, s9, s6, $0xb8;
	[tilespmem:$0x12480] =	vst v63  }
0x11: {  	s11 =	simm.s32 $0x180;
	s12 =	simm.s32 $0x6480  }
0x12: {  	[tilespmem:s12], [sflag:$0x1] =	stream.indirect.gather [hbm4b:s5+s6], $0x40, s11, s6, $0xb8;
	[tilespmem:$0x12480] =	vst v63  }
0x13: {  	s13 =	simm.s32 $0x200;
	s14 =	simm.s32 $0x8480  }
0x14: {  	[tilespmem:s14], [sflag:$0x1] =	stream.indirect.gather [hbm4b:s5+s6], $0x40, s13, s6, $0xb8;
	[tilespmem:$0x12480] =	vst v63  }
0x15: {  	s15 =	simm.s32 $0x280;
	s16 =	simm.s32 $0xA480  }
0x16: {  	[tilespmem:s16], [sflag:$0x1] =	stream.indirect.gather [hbm4b:s5+s6], $0x40, s15, s6, $0xb8;
	[tilespmem:$0x12480] =	vst v63  }
0x17: {  	s17 =	simm.s32 $0x300;
	s18 =	simm.s32 $0xC480  }
0x18: {  	[tilespmem:s18], [sflag:$0x1] =	stream.indirect.gather [hbm4b:s5+s6], $0x40, s17, s6, $0xb8;
	[tilespmem:$0x12480] =	vst v63  }
0x19: {  	s19 =	simm.s32 $0x380;
	s20 =	simm.s32 $0xE480  }
0x1a: {  	[tilespmem:s20], [sflag:$0x1] =	stream.indirect.gather [hbm4b:s5+s6], $0x40, s19, s6, $0xb8;
	[tilespmem:$0x12480] =	vst v63  }
0x1b: {  	s21 =	simm.s32 $0x400;
	s22 =	simm.s32 $0x10480;
	s23 =	simm.s32 $0x1  }
0x1c: {  	[tilespmem:s22], [sflag:$0x1] =	stream.indirect.gather [hbm4b:s5+s6], $0x40, s21, s6, $0xb8;
	[tilespmem:$0x12480] =	vst v63  }
0x1d: {  	_ =	swait.ge [sflag:s23], $0x2000  }
0x1e: {  	[sflag:s23] =	ssyncset.done $0x0  }
0x1f: {  	[sflag:s23] =	ssyncadd.s32 $0xFFFFE000  }
0x20: {  	_ =	swait.ge [sflag:s23], $0x2000  }
0x21: {  	[sflag:s23] =	ssyncset.done $0x0  }
0x22: {  	[sflag:s23] =	ssyncadd.s32 $0xFFFFE000  }
0x23: {  	_ =	swait.ge [sflag:s23], $0x2000  }
0x24: {  	[sflag:s23] =	ssyncset.done $0x0  }
0x25: {  	[sflag:s23] =	ssyncadd.s32 $0xFFFFE000  }
0x26: {  	_ =	swait.ge [sflag:s23], $0x2000  }
0x27: {  	[sflag:s23] =	ssyncset.done $0x0  }
0x28: {  	[sflag:s23] =	ssyncadd.s32 $0xFFFFE000  }
0x29: {  	_ =	swait.ge [sflag:s23], $0x2000  }
0x2a: {  	[sflag:s23] =	ssyncset.done $0x0  }
0x2b: {  	[sflag:s23] =	ssyncadd.s32 $0xFFFFE000  }
0x2c: {  	_ =	swait.ge [sflag:s23], $0x2000  }
0x2d: {  	[sflag:s23] =	ssyncset.done $0x0  }
0x2e: {  	[sflag:s23] =	ssyncadd.s32 $0xFFFFE000  }
0x2f: {  	_ =	swait.ge [sflag:s23], $0x2000  }
0x30: {  	[sflag:s23] =	ssyncset.done $0x0  }
0x31: {  	s25 =	ssub.s32 $0x2, s25;
	[sflag:s23] =	ssyncadd.s32 $0xFFFFE000  }
0x32: {  	s28 =	sshrl.u32 s25, $0x1;
	_ =	swait.ge [sflag:s23], $0x2000  }
0x33: {  	s25 =	ssub.s32 s25, s28;
	[sflag:s23] =	ssyncset.done $0x0  }
0x34: {  	s25 =	smax.u32 s25, $0x1;
	[sflag:s23] =	ssyncadd.s32 $0xFFFFE000  }
0x35: {  	s26 =	smul.u32 $0x2400, s26;
	p0 =	sne.s32 s25, $0x1;
	_ =	swait.ge [sflag:s23], $0x2000  }
.Ltmp0:
0x36: {  	[sflag:s23] =	ssyncset.done $0x0;
	(pc) =	sbr.rel @!p0 .LBB2_2-.Ltmp0, $4  }
0x37: {  	s24 =	sadd.s32 s24, s26;
	[sflag:s23] =	ssyncadd.s32 $0xFFFFE000  }
0x38: {  	[hbm4b:s24+s2] =	stream.linear.scatter [tilespmem:s7], [sflag:$0x2], $0x12000, $0x38;
	[tilespmem:$0x12480] =	vst v63  }
0x39: {  	_ =	swait.ge [sflag:s3], $0x12000  }
0x3a: {  	s25 =	sadd.s32 $0xFFFFFFFF, s25;
	[sflag:s3] =	ssyncset.done $0x0  }
.LBB2_1:
0x3b: {  	p0 =	sne.s32 s25, $0x1;
	s25 =	sadd.s32 $0xFFFFFFFF, s25;
	[sflag:s3] =	ssyncadd.s32 $0xFFFEE000  }
0x3c: {  	[tilespmem:s2], [sflag:$0x2] =	stream.linear.gather [hbm4b:s4+s2], $0x480, $0x38;
	[tilespmem:$0x12480] =	vst v63  }
0x3d: {  	_ =	swait.ge [sflag:s3], $0x480  }
0x3e: {  	[sflag:s3] =	ssyncset.done $0x0  }
0x3f: {  	[sflag:s3] =	ssyncadd.s32 $0xFFFFFB80  }
0x40: {  	[tilespmem:s7], [sflag:$0x1] =	stream.indirect.gather [hbm4b:s5+s6], $0x40, s2, s6, $0xb8;
	[tilespmem:$0x12480] =	vst v63  }
0x41: {  	_ = 	snop  }
0x42: {  	[tilespmem:s8], [sflag:$0x1] =	stream.indirect.gather [hbm4b:s5+s6], $0x40, s6, s6, $0xb8;
	[tilespmem:$0x12480] =	vst v63  }
0x43: {  	_ = 	snop  }
0x44: {  	[tilespmem:s10], [sflag:$0x1] =	stream.indirect.gather [hbm4b:s5+s6], $0x40, s9, s6, $0xb8;
	[tilespmem:$0x12480] =	vst v63  }
0x45: {  	_ = 	snop  }
0x46: {  	[tilespmem:s12], [sflag:$0x1] =	stream.indirect.gather [hbm4b:s5+s6], $0x40, s11, s6, $0xb8;
	[tilespmem:$0x12480] =	vst v63  }
0x47: {  	_ = 	snop  }
0x48: {  	[tilespmem:s14], [sflag:$0x1] =	stream.indirect.gather [hbm4b:s5+s6], $0x40, s13, s6, $0xb8;
	[tilespmem:$0x12480] =	vst v63  }
0x49: {  	_ = 	snop  }
0x4a: {  	[tilespmem:s16], [sflag:$0x1] =	stream.indirect.gather [hbm4b:s5+s6], $0x40, s15, s6, $0xb8;
	[tilespmem:$0x12480] =	vst v63  }
0x4b: {  	_ = 	snop  }
0x4c: {  	[tilespmem:s18], [sflag:$0x1] =	stream.indirect.gather [hbm4b:s5+s6], $0x40, s17, s6, $0xb8;
	[tilespmem:$0x12480] =	vst v63  }
0x4d: {  	_ = 	snop  }
0x4e: {  	[tilespmem:s20], [sflag:$0x1] =	stream.indirect.gather [hbm4b:s5+s6], $0x40, s19, s6, $0xb8;
	[tilespmem:$0x12480] =	vst v63  }
0x4f: {  	_ = 	snop  }
0x50: {  	[tilespmem:s22], [sflag:$0x1] =	stream.indirect.gather [hbm4b:s5+s6], $0x40, s21, s6, $0xb8;
	[tilespmem:$0x12480] =	vst v63  }
0x51: {  	_ =	swait.ge [sflag:s23], $0x2000  }
0x52: {  	[sflag:s23] =	ssyncset.done $0x0  }
0x53: {  	[sflag:s23] =	ssyncadd.s32 $0xFFFFE000  }
0x54: {  	_ =	swait.ge [sflag:s23], $0x2000  }
0x55: {  	[sflag:s23] =	ssyncset.done $0x0  }
0x56: {  	[sflag:s23] =	ssyncadd.s32 $0xFFFFE000  }
0x57: {  	_ =	swait.ge [sflag:s23], $0x2000  }
0x58: {  	[sflag:s23] =	ssyncset.done $0x0  }
0x59: {  	[sflag:s23] =	ssyncadd.s32 $0xFFFFE000  }
0x5a: {  	_ =	swait.ge [sflag:s23], $0x2000  }
0x5b: {  	[sflag:s23] =	ssyncset.done $0x0  }
0x5c: {  	[sflag:s23] =	ssyncadd.s32 $0xFFFFE000  }
0x5d: {  	_ =	swait.ge [sflag:s23], $0x2000  }
0x5e: {  	[sflag:s23] =	ssyncset.done $0x0  }
0x5f: {  	[sflag:s23] =	ssyncadd.s32 $0xFFFFE000  }
0x60: {  	_ =	swait.ge [sflag:s23], $0x2000  }
0x61: {  	[sflag:s23] =	ssyncset.done $0x0  }
0x62: {  	[sflag:s23] =	ssyncadd.s32 $0xFFFFE000  }
0x63: {  	_ =	swait.ge [sflag:s23], $0x2000  }
0x64: {  	[sflag:s23] =	ssyncset.done $0x0  }
0x65: {  	[sflag:s23] =	ssyncadd.s32 $0xFFFFE000  }
0x66: {  	_ =	swait.ge [sflag:s23], $0x2000  }
0x67: {  	[sflag:s23] =	ssyncset.done $0x0  }
0x68: {  	[sflag:s23] =	ssyncadd.s32 $0xFFFFE000  }
0x69: {  	_ =	swait.ge [sflag:s23], $0x2000  }
.Ltmp1:
0x6a: {  	[sflag:s23] =	ssyncset.done $0x0;
	(pc) =	sbr.rel @p0 .LBB2_1-.Ltmp1, $4  }
0x6b: {  	[sflag:s23] =	ssyncadd.s32 $0xFFFFE000  }
0x6c: {  	[hbm4b:s24+s2] =	stream.linear.scatter [tilespmem:s7], [sflag:$0x2], $0x12000, $0x38;
	[tilespmem:$0x12480] =	vst v63  }
0x6d: {  	_ =	swait.ge [sflag:s3], $0x12000  }
0x6e: {  	[sflag:s3] =	ssyncset.done $0x0  }
.LBB2_2:
0x6f: {  	[sflag:s3] =	ssyncadd.s32 $0xFFFEE000  }
0x70: {  	_ =	sfence.sel $0x180000  }
0x71: {  	[bflag:$0x0] =	sbarrier.arrive $0xFFFF  }
0x72: {  	p0 =	sne.s32 s0, $0x0;
	_ =	strace $0x90000047  }
0x73: {  	s0 =	sadd.s32 @!p0 $0x100000, s1;
	[bflag:$0x2] =	sbarrier.arrive $0xFFFF  }
0x74: {  	[sflag:s0] =	ssyncadd.tile.s32 @!p0 $0x1;
	_ =	shalt  }
.Lfunc_end2:
_tile_overlayer_lowered:
.L_overlay_start_2:
0x75: {  	(tag) =	ssettag $0x2  }
0x76: {  	s0 =	rddreg [dreg:$0x0];
	s2 =	stileid.u32  }
0x77: {  	s1 =	rddreg [dreg:$0x1];
	p0 =	sne.s32 s2, $0x0  }
0x78: {  	s3 =	rddreg [dreg:$0x2];
	[bflag:$0x3] =	sbarrier.arrive $0xFFFF;
	s2 =	simm.s32 @!p0 $0x1C02  }
0x79: {  	[timem:s3], [sflag:s2] =	dma.local @!p0 [hbm:s0], s1  }
0x7a: {  	s0 =	simm.s32 @!p0 $0x2  }
0x7b: {  	_ =	swait.ge @!p0 [sflag:s0], s1  }
0x7c: {  	s1 =	ssub.s32 @!p0 $0x0, s1;
	[sflag:s0] =	ssyncset.done @!p0 $0x0  }
0x7d: {  	[sflag:s0] =	ssyncadd.s32 @!p0 s1  }
0x7e: {  	[bflag:$0x3] =	sbarrier.arrive $0xFFFF  }
0x7f: {  	_ =	shalt  }

</sc_bundles>
